<compile_context>
chip_gen: v7x
topology: tpu7x:2x2x1
jax: 0.10.2.dev20260603
libtpu: 0.0.44.dev20260713+nightly
codegen_flags: <defaults>
</compile_context>

<pallas_src>
import jax
import jax.numpy as jnp
from jax.experimental import pallas as pl
from jax.experimental.pallas import tpu as pltpu

_BUDGET = 128.0
_SLOPE = 10.0


def _sample_body(mask_ref, sampler_ref, uniform_ref, probs_ref, nm_ref):
    mask_flat = mask_ref[...]
    so = jnp.broadcast_to(sampler_ref[...], mask_flat.shape)
    prob = jax.nn.softplus(_SLOPE * so) / _SLOPE
    denom = jnp.max((1.0 - mask_flat) * prob, axis=1, keepdims=True)
    prob = prob / denom
    masked = prob * (1.0 - mask_flat)
    sparsity = _BUDGET / mask_flat.shape[1]
    xbar = jnp.mean(masked, axis=1, keepdims=True)
    r = sparsity / xbar
    beta = (1.0 - sparsity) / (1.0 - xbar)
    le = (r <= 1.0).astype(masked.dtype)
    normed = le * masked * r + (1.0 - le) * (1.0 - (1.0 - masked) * beta)
    mprob = jnp.where(mask_flat == 0.0, normed, masked)
    binm = (mprob > uniform_ref[...]).astype(jnp.float32)
    probs_ref[...] = mprob
    nm_ref[...] = mask_flat + binm


def _mask_body(nm2_ref, x_ref, o_ref):
    o_ref[...] = x_ref[...] * nm2_ref[...]


def kernel(mask, kspace, sampler, uniform):
    B, M, H, W, C = kspace.shape
    mask_flat = mask.reshape(B, W)

    probs, nm = pl.pallas_call(
        _sample_body,
        out_shape=(
            jax.ShapeDtypeStruct((B, W), jnp.float32),
            jax.ShapeDtypeStruct((B, W), jnp.float32),
        ),
    )(mask_flat, sampler, uniform)

    nm2 = jnp.repeat(nm, C, axis=1).reshape(B, 1, W * C)

    MH = M * H
    HB = 512
    x = kspace.reshape(B, MH, W * C)
    out = pl.pallas_call(
        _mask_body,
        grid=(B, MH // HB),
        in_specs=[
            pl.BlockSpec((1, 1, W * C), lambda b, h: (b, 0, 0)),
            pl.BlockSpec((1, HB, W * C), lambda b, h: (b, h, 0)),
        ],
        out_specs=pl.BlockSpec((1, HB, W * C), lambda b, h: (b, h, 0)),
        out_shape=jax.ShapeDtypeStruct((B, MH, W * C), jnp.float32),
        compiler_params=pltpu.CompilerParams(
            dimension_semantics=("parallel", "parallel"),
        ),
    )(nm2, x)

    new_mask = nm.reshape(B, 1, 1, W, 1)
    final_prob_mask = probs.reshape(B, 1, 1, W, 1)
    return new_mask, out.reshape(B, M, H, W, C), final_prob_mask

# --- scband reference (transcript-rebuilt; emitter-appended) ---
"""Pipeline reference for scband-loupepolicy-5669356833984 (READ-ONLY COPY).

The authoritative reference and input builder live on the scoring server;
editing this copy changes nothing except your own understanding.
"""

import jax, jax.numpy as jnp
import numpy as np

NUM_ACTIONS = 512
BUDGET = 128
SLOPE = 10.0
USE_SOFTPLUS = True
FIX_SIGN_LEAKAGE = True
SAMPLER_DETACH_MASK = False

B, M, H, W, C = 16, 8, 512, 512, 2


def setup_inputs(seed: int = 0) -> dict:
    key = jax.random.key(seed)
    k1, k2, k3 = jax.random.split(key, 3)
    mask = jnp.zeros((B, 1, 1, W, 1), dtype=jnp.float32)
    kspace = jax.random.normal(k1, (B, M, H, W, C), dtype=jnp.float32)
    # learned sampler parameter: normal(mean=1, std=0.1)
    sampler = 1.0 + 0.1 * jax.random.normal(k2, (1, NUM_ACTIONS), dtype=jnp.float32)
    # pre-drawn uniform randoms for the stochastic binarizer (deterministic stand-in
    # for the rejection-sampling loop: one uniform draw per probability entry)
    uniform = jax.random.uniform(k3, (B, NUM_ACTIONS), dtype=jnp.float32)
    return {"mask": mask, "kspace": kspace, "sampler": sampler, "uniform": uniform}


def _rescale_probs(batch_x, budget):
    # batch_x: [B, W]
    Wd = batch_x.shape[1]
    sparsity = budget / Wd
    xbar = jnp.mean(batch_x, axis=1, keepdims=True)
    r = sparsity / xbar
    beta = (1.0 - sparsity) / (1.0 - xbar)
    le = (r <= 1.0).astype(batch_x.dtype)
    return le * batch_x * r + (1.0 - le) * (1.0 - (1.0 - batch_x) * beta)


def reference(mask, kspace, sampler, uniform):
    Bb, Mm, Hh, Ww, Cc = kspace.shape
    sampler_out = jnp.broadcast_to(sampler, (mask.shape[0], sampler.shape[1]))
    mask_flat = mask.reshape(Bb, Ww)
    if USE_SOFTPLUS:
        prob_mask = jax.nn.softplus(SLOPE * sampler_out) / SLOPE
        denom = jnp.max((1.0 - mask_flat) * prob_mask, axis=1, keepdims=True)
        prob_mask = prob_mask / denom
    else:
        prob_mask = jax.nn.sigmoid(SLOPE * sampler_out)
    masked_prob_mask = prob_mask * (1.0 - mask_flat)
    # With an all-zero initial mask, every column is "nonzero index"; normalize all.
    normed = _rescale_probs(masked_prob_mask, BUDGET)
    masked_prob_mask = jnp.where(mask_flat == 0.0, normed, masked_prob_mask)
    # Straight-through binarizer (forward: stochastic threshold)
    flat_bin_mask = (masked_prob_mask > uniform).astype(jnp.float32)
    acquisitions = flat_bin_mask.reshape(Bb, 1, 1, Ww, 1)
    final_prob_mask = masked_prob_mask.reshape(Bb, 1, 1, Ww, 1)
    new_mask = mask + acquisitions
    masked_kspace = new_mask * kspace
    if FIX_SIGN_LEAKAGE:
        fix = jnp.where((kspace < 0.0) & (new_mask == 0.0), -1.0, 1.0)
        masked_kspace = masked_kspace * fix
    return (new_mask, masked_kspace, final_prob_mask)

if __name__ == "__main__":
    import jax
    _d = setup_inputs()
    print(jax.jit(kernel)(*tuple(_d.values())))

</pallas_src>

<mosaic_0001>
module attributes {stable_mosaic.version = 14 : i64} {
  func.func @_sample_body(%arg0: memref<16x512xf32, #tpu.memory_space<vmem>>, %arg1: memref<1x512xf32, #tpu.memory_space<vmem>>, %arg2: memref<16x512xf32, #tpu.memory_space<vmem>>, %arg3: memref<16x512xf32, #tpu.memory_space<vmem>>, %arg4: memref<16x512xf32, #tpu.memory_space<vmem>>) attributes {dimension_semantics = [], scalar_prefetch = 0 : i64, scratch_operands = 0 : i64, tpu.core_type = #tpu.core_type<tc>} {
    %get3A = arith.constant 0 : index
    %get3A_0 = arith.constant 0 : index
    %get3A_1 = vector.load %arg0[%get3A, %get3A_0] : memref<16x512xf32, #tpu.memory_space<vmem>>, vector<16x512xf32>
    %get3A_2 = arith.constant 0 : index
    %get3A_3 = arith.constant 0 : index
    %get3A_4 = vector.load %arg1[%get3A_2, %get3A_3] : memref<1x512xf32, #tpu.memory_space<vmem>>, vector<1x512xf32>
    %broadcast_in_dim3A = vector.shape_cast %get3A_4 : vector<1x512xf32> to vector<1x512xf32>
    %broadcast_in_dim3A_5 = vector.broadcast %broadcast_in_dim3A : vector<1x512xf32> to vector<16x512xf32>
    %mul3A = arith.constant 1.000000e+01 : f32
    %mul3A_6 = vector.broadcast %mul3A : f32 to vector<16x512xf32>
    %mul3A_7 = arith.mulf %mul3A_6, %broadcast_in_dim3A_5 : vector<16x512xf32>
    %custom_jvp_call3A = arith.constant 0.000000e+00 : f32
    %max3A = vector.broadcast %custom_jvp_call3A : f32 to vector<16x512xf32>
    %max3A_8 = arith.maximumf %mul3A_7, %max3A : vector<16x512xf32>
    %sub3A = vector.broadcast %custom_jvp_call3A : f32 to vector<16x512xf32>
    %sub3A_9 = arith.subf %mul3A_7, %sub3A : vector<16x512xf32>
    %ne3A = arith.cmpf one, %sub3A_9, %sub3A_9 : vector<16x512xf32>
    %add3A = vector.broadcast %custom_jvp_call3A : f32 to vector<16x512xf32>
    %add3A_10 = arith.addf %mul3A_7, %add3A : vector<16x512xf32>
    %abs3A = math.absf %sub3A_9 : vector<16x512xf32>
    %neg3A = arith.constant 0.000000e+00 : f32
    %neg3A_11 = vector.broadcast %neg3A : f32 to vector<16x512xf32>
    %neg3A_12 = arith.subf %neg3A_11, %abs3A : vector<16x512xf32>
    %exp3A = math.exp %neg3A_12 : vector<16x512xf32>
    %log1p3A = math.log1p %exp3A : vector<16x512xf32>
    %add3A_13 = arith.addf %max3A_8, %log1p3A : vector<16x512xf32>
    %select_n3A = arith.select %ne3A, %add3A_10, %add3A_13 : vector<16x512xi1>, vector<16x512xf32>
    %div3A = arith.constant 1.000000e+01 : f32
    %div3A_14 = vector.broadcast %div3A : f32 to vector<16x512xf32>
    %div3A_15 = arith.divf %select_n3A, %div3A_14 : vector<16x512xf32>
    %sub3A_16 = arith.constant 1.000000e+00 : f32
    %sub3A_17 = vector.broadcast %sub3A_16 : f32 to vector<16x512xf32>
    %sub3A_18 = arith.subf %sub3A_17, %get3A_1 : vector<16x512xf32>
    %mul3A_19 = arith.mulf %sub3A_18, %div3A_15 : vector<16x512xf32>
    %reduce_max3A = arith.constant dense<0xFF800000> : vector<16xf32>
    %reduce_max3A_20 = vector.multi_reduction <maximumf>, %mul3A_19, %reduce_max3A [1] : vector<16x512xf32> to vector<16xf32>
    %broadcast_in_dim3A_21 = vector.shape_cast %reduce_max3A_20 : vector<16xf32> to vector<16x1xf32>
    %div3A_22 = vector.broadcast %broadcast_in_dim3A_21 : vector<16x1xf32> to vector<16x512xf32>
    %div3A_23 = arith.divf %div3A_15, %div3A_22 : vector<16x512xf32>
    %sub3A_24 = arith.constant 1.000000e+00 : f32
    %sub3A_25 = vector.broadcast %sub3A_24 : f32 to vector<16x512xf32>
    %sub3A_26 = arith.subf %sub3A_25, %get3A_1 : vector<16x512xf32>
    %mul3A_27 = arith.mulf %div3A_23, %sub3A_26 : vector<16x512xf32>
    %reduce_sum3A = arith.constant dense<0.000000e+00> : vector<16xf32>
    %reduce_sum3A_28 = vector.multi_reduction <add>, %mul3A_27, %reduce_sum3A [1] : vector<16x512xf32> to vector<16xf32>
    %broadcast_in_dim3A_29 = vector.shape_cast %reduce_sum3A_28 : vector<16xf32> to vector<16x1xf32>
    %div3A_30 = arith.constant 5.120000e+02 : f32
    %div3A_31 = vector.broadcast %div3A_30 : f32 to vector<16x1xf32>
    %div3A_32 = arith.divf %broadcast_in_dim3A_29, %div3A_31 : vector<16x1xf32>
    %div3A_33 = arith.constant 2.500000e-01 : f32
    %div3A_34 = vector.broadcast %div3A_33 : f32 to vector<16x1xf32>
    %div3A_35 = arith.divf %div3A_34, %div3A_32 : vector<16x1xf32>
    %sub3A_36 = arith.constant 1.000000e+00 : f32
    %sub3A_37 = vector.broadcast %sub3A_36 : f32 to vector<16x1xf32>
    %sub3A_38 = arith.subf %sub3A_37, %div3A_32 : vector<16x1xf32>
    %div3A_39 = arith.constant 7.500000e-01 : f32
    %div3A_40 = vector.broadcast %div3A_39 : f32 to vector<16x1xf32>
    %div3A_41 = arith.divf %div3A_40, %sub3A_38 : vector<16x1xf32>
    %le3A = arith.constant 1.000000e+00 : f32
    %le3A_42 = vector.broadcast %le3A : f32 to vector<16x1xf32>
    %le3A_43 = arith.cmpf ole, %div3A_35, %le3A_42 : vector<16x1xf32>
    %convert_element_type3A = arith.extui %le3A_43 : vector<16x1xi1> to vector<16x1xi32>
    %convert_element_type3A_44 = arith.sitofp %convert_element_type3A : vector<16x1xi32> to vector<16x1xf32>
    %mul3A_45 = vector.broadcast %convert_element_type3A_44 : vector<16x1xf32> to vector<16x512xf32>
    %mul3A_46 = arith.mulf %mul3A_45, %mul3A_27 : vector<16x512xf32>
    %mul3A_47 = vector.broadcast %div3A_35 : vector<16x1xf32> to vector<16x512xf32>
    %mul3A_48 = arith.mulf %mul3A_46, %mul3A_47 : vector<16x512xf32>
    %sub3A_49 = arith.constant 1.000000e+00 : f32
    %sub3A_50 = vector.broadcast %sub3A_49 : f32 to vector<16x1xf32>
    %sub3A_51 = arith.subf %sub3A_50, %convert_element_type3A_44 : vector<16x1xf32>
    %sub3A_52 = arith.constant 1.000000e+00 : f32
    %sub3A_53 = vector.broadcast %sub3A_52 : f32 to vector<16x512xf32>
    %sub3A_54 = arith.subf %sub3A_53, %mul3A_27 : vector<16x512xf32>
    %mul3A_55 = vector.broadcast %div3A_41 : vector<16x1xf32> to vector<16x512xf32>
    %mul3A_56 = arith.mulf %sub3A_54, %mul3A_55 : vector<16x512xf32>
    %sub3A_57 = arith.constant 1.000000e+00 : f32
    %sub3A_58 = vector.broadcast %sub3A_57 : f32 to vector<16x512xf32>
    %sub3A_59 = arith.subf %sub3A_58, %mul3A_56 : vector<16x512xf32>
    %mul3A_60 = vector.broadcast %sub3A_51 : vector<16x1xf32> to vector<16x512xf32>
    %mul3A_61 = arith.mulf %mul3A_60, %sub3A_59 : vector<16x512xf32>
    %add3A_62 = arith.addf %mul3A_48, %mul3A_61 : vector<16x512xf32>
    %eq3A = arith.constant 0.000000e+00 : f32
    %eq3A_63 = vector.broadcast %eq3A : f32 to vector<16x512xf32>
    %eq3A_64 = arith.cmpf oeq, %get3A_1, %eq3A_63 : vector<16x512xf32>
    %select_n3A_65 = arith.select %eq3A_64, %add3A_62, %mul3A_27 : vector<16x512xi1>, vector<16x512xf32>
    %get3A_66 = arith.constant 0 : index
    %get3A_67 = arith.constant 0 : index
    %get3A_68 = vector.load %arg2[%get3A_66, %get3A_67] : memref<16x512xf32, #tpu.memory_space<vmem>>, vector<16x512xf32>
    %gt3A = arith.cmpf ogt, %select_n3A_65, %get3A_68 : vector<16x512xf32>
    %convert_element_type3A_69 = arith.extui %gt3A : vector<16x512xi1> to vector<16x512xi32>
    %convert_element_type3A_70 = arith.sitofp %convert_element_type3A_69 : vector<16x512xi32> to vector<16x512xf32>
    %swap3A = arith.constant 0 : index
    %swap3A_71 = arith.constant 0 : index
    %swap3A_72 = vector.load %arg3[%swap3A, %swap3A_71] : memref<16x512xf32, #tpu.memory_space<vmem>>, vector<16x512xf32>
    tpu.vector_store %arg3[%swap3A, %swap3A_71], %select_n3A_65 {strides = array<i32>} : memref<16x512xf32, #tpu.memory_space<vmem>>, vector<16x512xf32>,
    %add3A_73 = arith.addf %get3A_1, %convert_element_type3A_70 : vector<16x512xf32>
    %swap3A_74 = arith.constant 0 : index
    %swap3A_75 = arith.constant 0 : index
    %swap3A_76 = vector.load %arg4[%swap3A_74, %swap3A_75] : memref<16x512xf32, #tpu.memory_space<vmem>>, vector<16x512xf32>
    tpu.vector_store %arg4[%swap3A_74, %swap3A_75], %add3A_73 {strides = array<i32>} : memref<16x512xf32, #tpu.memory_space<vmem>>, vector<16x512xf32>,
    return
  }
}

module attributes {stable_mosaic.version = 14 : i64} {
  func.func @_mask_body(%arg0: i32, %arg1: i32, %arg2: memref<1x1x1024xf32, #tpu.memory_space<vmem>>, %arg3: memref<1x512x1024xf32, #tpu.memory_space<vmem>>, %arg4: memref<1x512x1024xf32, #tpu.memory_space<vmem>>) attributes {dimension_semantics = [#tpu.dimension_semantics<parallel>, #tpu.dimension_semantics<parallel>], iteration_bounds = array<i64: 16, 8>, scalar_prefetch = 0 : i64, scratch_operands = 0 : i64, tpu.core_type = #tpu.core_type<tc>, window_params = [{transform_indices = @transform_0, window_bounds = array<i64: 1, 1, 1024>}, {transform_indices = @transform_1, window_bounds = array<i64: 1, 512, 1024>}, {transform_indices = @transform_2, window_bounds = array<i64: 1, 512, 1024>}]} {
    %get3A = arith.constant 0 : index
    %get3A_0 = arith.constant 0 : index
    %get3A_1 = arith.constant 0 : index
    %get3A_2 = vector.load %arg3[%get3A, %get3A_0, %get3A_1] : memref<1x512x1024xf32, #tpu.memory_space<vmem>>, vector<1x512x1024xf32>
    %get3A_3 = arith.constant 0 : index
    %get3A_4 = arith.constant 0 : index
    %get3A_5 = arith.constant 0 : index
    %get3A_6 = vector.load %arg2[%get3A_3, %get3A_4, %get3A_5] : memref<1x1x1024xf32, #tpu.memory_space<vmem>>, vector<1x1x1024xf32>
    %mul3A = vector.broadcast %get3A_6 : vector<1x1x1024xf32> to vector<1x512x1024xf32>
    %mul3A_7 = arith.mulf %get3A_2, %mul3A : vector<1x512x1024xf32>
    %swap3A = arith.constant 0 : index
    %swap3A_8 = arith.constant 0 : index
    %swap3A_9 = arith.constant 0 : index
    %swap3A_10 = vector.load %arg4[%swap3A, %swap3A_8, %swap3A_9] : memref<1x512x1024xf32, #tpu.memory_space<vmem>>, vector<1x512x1024xf32>
    tpu.vector_store %arg4[%swap3A, %swap3A_8, %swap3A_9], %mul3A_7 {strides = array<i32>} : memref<1x512x1024xf32, #tpu.memory_space<vmem>>, vector<1x512x1024xf32>,
    return
  }
  func.func @transform_0(%arg0: i32, %arg1: i32) -> (i32, i32, i32) {
    %c0_i32 = arith.constant 0 : i32
    %c0_i32_0 = arith.constant 0 : i32
    %c0_i32_1 = arith.constant 0 : i32
    return %arg0, %c0_i32, %c0_i32_0 : i32, i32, i32
  }
  func.func @transform_1(%arg0: i32, %arg1: i32) -> (i32, i32, i32) {
    %c0_i32 = arith.constant 0 : i32
    %c0_i32_0 = arith.constant 0 : i32
    return %arg0, %arg1, %c0_i32 : i32, i32, i32
  }
  func.func @transform_2(%arg0: i32, %arg1: i32) -> (i32, i32, i32) {
    %c0_i32 = arith.constant 0 : i32
    %c0_i32_0 = arith.constant 0 : i32
    return %arg0, %arg1, %c0_i32 : i32, i32, i32
  }
}

</mosaic_0001>

<sc_bundles>
// kernel: sparse-core-data-format-call.cloned.1.call-start
scs
called_computation_lowered:
.L_overlay_start_0:
0x0: {  	s2 =	sld [smem:$0x3FD9]  }
0x1: {  	s3 =	sld [smem:$0x3FFE];
	_ =	sdelay $0x1  }
0x2: {  	s1 =	srdreg.scid  }
0x3: {  	s0 =	sand.u32 $0x1, s1  }
0x4: {  	s15 =	sshll.u32 s0, $0xA;
	s2 =	sadd.s32 s3, s2  }
0x5: {  	s2 =	sadd.s32 s2, s15  }
0x6: {  	[smem:$0x3FC4] =	sst s2  }
0x7: {  	_ = 	snop  }
0x8: {  	s2 =	sld [smem:$0x3FD0];
	_ =	sdelay $0x2  }
0x9: {  	s16 =	simm.s32 $0xA;
	s4 =	simm.s32 $0x10  }
0xa: {  	[smem:s4], [sflag:s16] =	dma.local [hbm:s2], $0x1  }
0xb: {  	_ =	swait.eq [sflag:s16], $0x1  }
0xc: {  	[sflag:s16] =	ssyncset.done $0x0  }
0xd: {  	[sflag:s16] =	ssyncadd.s32 $0xFFFFFFFF  }
0xe: {  	s17 =	sld [smem:$0x11];
	(tm) =	ssettm $0x1  }
0xf: {  	s18 =	sld [smem:$0x3FFB];
	_ =	sdelay $0x3  }
0x10: {  	_ =	strace s18  }
0x11: {  	s3 =	sld [smem:$0x3FFC];
	_ =	sdelay $0x3  }
0x12: {  	_ =	strace s3  }
0x13: {  	s3 =	sld [smem:$0x3FFD];
	_ =	sdelay $0x3  }
0x14: {  	_ =	strace s3  }
0x15: {  	_ =	strace $0x8FFFFFFF  }
0x16: {  	s19 =	sld [smem:$0x3FDB];
	_ =	sdelay $0x1  }
0x17: {  	s20 =	simm.s32 $_scs_section_size  }
0x18: {  	s5 =	simm.s32 $_size__tile_overlayer_lowered;
	s6 =	simm.s32 $_tile_overlayer_lowered  }
0x19: {  	s23 =	simm.s32 $0x1BFF;
	s22 =	sshll.u32 s6, $0x1;
	s3 =	sadd.s32 s20, s19  }
0x1a: {  	s7 =	simm.s32 $0x0;
	s21 =	sshll.u32 s5, $0x1;
	s5 =	sadd.s32 s22, s3  }
0x1b: {  	[timem:s7], [sflag:s23] =	dma.local [hbm:s5], s21  }
0x1c: {  	_ =	swait.ge [sflag:s23], s21  }
0x1d: {  	s4 =	ssub.s32 $0x0, s21;
	[sflag:s23] =	ssyncset.done $0x0  }
0x1e: {  	[sflag:s23] =	ssyncadd.s32 s4;
	_ =	sdelay $0x1  }
0x1f: {  	s24 =	simm.s32 $0x1B8B  }
0x20: {  	_ =	swait.ge [sflag:s24], $0x1  }
0x21: {  	[sflag:s24] =	ssyncset.done $0x0  }
0x22: {  	s26 =	simm.s32 $0x1B8E;
	s25 =	sld [smem:$0x3FFE];
	[sflag:s24] =	ssyncadd.s32 $0xFFFFFFFF  }
0x23: {  	s27 =	simm.s32 $execute0_lowered;
	[smem:$0x3FD2] =	sst s26  }
0x24: {  	s5 =	sshll.u32 s27, $0x1;
	_ =	strace $0x80000046;
	[dreg:$0x1] =	wrdreg $0xFFFFFFFF  }
0x25: {  	s28 =	simm.s32 $_size_execute0_lowered;
	s3 =	sadd.s32 s3, s5;
	[dreg:$0x0] =	wrdreg $0x0  }
0x26: {  	s5 =	sshll.u32 s28, $0x1;
	[dreg:$0x2] =	wrdreg s3  }
0x27: {  	[dreg:$0x3] =	wrdreg s5  }
0x28: {  	[dreg:$0x4] =	wrdreg $0xC0  }
0x29: {  	_ =	task [dreg:s7], $0x5FFFF  }
0x2a: {  	[dreg:$0x1] =	wrdreg $0xFFFFFFFF  }
0x2b: {  	[dreg:$0x0] =	wrdreg $0x60  }
0x2c: {  	[dreg:$0x2] =	wrdreg s25  }
0x2d: {  	[dreg:$0x3] =	wrdreg s17  }
0x2e: {  	[dreg:$0x4] =	wrdreg $0x9  }
0x2f: {  	_ =	task.clear_ibuf [dreg:s7], $0x5FFFF;
	_ =	strace $0x90000046  }
0x30: {  	s29 =	simm.s32 $0x9;
	_ =	strace $0x80000048  }
0x31: {  	_ =	swait.ge [sflag:s29], $0x1  }
0x32: {  	[sflag:s29] =	ssyncadd.s32 $0xFFFFFFFF  }
0x33: {  	_ =	strace $0x90000048  }
0x34: {  	_ =	sfence  }
0x35: {  	s30 =	sld [smem:$0x0];
	_ =	sdelay $0x2  }
0x36: {  	s31 =	sshll.u32 s1, $0xD;
	s1 =	sshrl.u32 s1, $0x2  }
0x37: {  	s3 =	sand.u32 $0x4000, s31;
	s1 =	sadd.s32 s1, s30  }
0x38: {  	s0 =	sor.u32 s3, s0;
	s1 =	sshll.u32 s1, $0x11  }
0x39: {  	s0 =	sor.u32 s1, s0  }
0x3a: {  	s0 =	sadd.s32 $0x8F2B, s0  }
0x3b: {  	[sflag:s0] =	ssyncadd.remote.s32 $0x1  }
0x3c: {  	_ =	sfence.sel $0xFFFF  }
0x3d: {  	[dreg:$0x0] =	wrdreg $0xFFFFFFFF;
	(pc) =	sbr.abs _section_cstart, $3  }
0x3e: {  	[dreg:$0x1] =	wrdreg $0xFFFFFFFF  }
0x3f: {  	_ =	task.clear_ibuf [dreg:s7], $0x2FFFF;
	_ =	strace $0x9FFFFFFF  }
0x40: {  	(tm) =	ssettm $0x7FFFFFFF  }
0x41: {  	_ =	shalt  }
tec
execute0_lowered:
.L_overlay_start_1:
0x0: {  	(tag) =	ssettag $0x1  }
0x1: {  	s3 =	rddreg [dreg:$0x0]  }
0x2: {  	s0 =	srdreg.scid;
	s2 =	rddreg [dreg:$0x1];
	s31 =	simm.s32 $0x2  }
0x3: {  	s15 =	simm.s32 $0x0;
	p0 =	por $0x0, $0x0;
	s8 =	simm.s32 $0x400  }
0x4: {  	s17 =	simm.s32 $0x0;
	s19 =	simm.s32 $0x0;
	s16 =	simm.s32 $0x0  }
0x5: {  	s18 =	simm.s32 $0x0;
	s9 =	simm.s32 $0x0;
	s0 =	sshll.u32 s0, $0x7  }
0x6: {  	s10 =	simm.s32 $0x0;
	s11 =	simm.s32 $0x0;
	s1 =	sand.u32 $0x80, s0  }
0x7: {  	s13 =	stileid.u32;
	s14 =	simm.s32 $0x0;
	s4 =	ssub.s32 $0x200, s1  }
.Ltmp0:
0x8: {  	s0 =	rddreg [dreg:$0x2];
	s5 =	sshrl.u32 s4, $0x7;
	(pc) =	sbr.rel .LBB1_1-.Ltmp0, $4  }
0x9: {  	_ =	strace $0x80000047;
	s6 =	sshrl.u32 s4, $0x8;
	s7 =	sand.u32 $0x1, s5  }
0xa: {  	s12 =	smov.u32 s1;
	s5 =	simm.s32 $0x1;
	s30 =	sadd.s32 s6, s7  }
0xb: {  	s4 =	sadd.s32 $0x1400, s3;
	[sflag:s5] =	ssyncpa.u1 $0x0;
	s6 =	sshll.u32 s30, $0x6  }
0xc: {  	s3 =	stileid.u32;
	[sflag:s31] =	ssyncpa.u1 $0x0;
	s7 =	sor.u32 $0x1, s6  }
.LBB1_4:
0xd: {  	v5 =	vld [tilespmem:s22+$0xFFFFFFD0];
	[tilespmem:s23+$0x2040 ss:$0x81] =	vst.msk $0xffff, v1  }
0xe: {  	v58 =	vld [tilespmem:s22+$0xFFFFFFE0];
	[tilespmem:s23+$0x2850 ss:$0x81] =	vst.msk $0xffff, v2  }
0xf: {  	s24 =	sshra.s32 s24, $0x2;
	v59 =	vld [tilespmem:s22+$0xFFFFFFF0];
	[tilespmem:s23+$0x3060 ss:$0x81] =	vst.msk $0xffff, v3  }
0x10: {  	v60 =	vld [tilespmem:s22+$0x0];
	[tilespmem:s23+$0x0 ss:$0x81] =	vst.msk $0xffff, v0;
	s21 =	sadd.s32 s24, s21  }
0x11: {  	v61 =	vld [tilespmem:s22+$0x10];
	s25 =	sshll.u32 s16, $0x1;
	[tilespmem:s21+$0x3870 ss:$0x81] =	vst.msk $0xffff, v4  }
0x12: {  	v62 =	vld [tilespmem:s22+$0x20];
	s26 =	sand.u32 $0x78, s16;
	s19 =	sshll.u32 s19, $0x7;
	s18 =	sshll.u32 s18, $0x13;
	[tilespmem:s21+$0x810 ss:$0x81] =	vst.msk $0xffff, v5  }
0x13: {  	v63 =	vld [tilespmem:s22+$0xFFFFFFC0];
	s17 =	sshll.u32 s17, $0x10;
	s28 =	sshrl.u32 s16, $0x2;
	s15 =	sshll.u32 s15, $0x7;
	[tilespmem:s21+$0x1020 ss:$0x81] =	vst.msk $0xffff, v58  }
0x14: {  	s23 =	sand.u32 $0x100, s25;
	s19 =	sand.u32 $0x80, s19;
	s18 =	sadd.s32 s2, s18;
	[tilespmem:s21+$0x1830 ss:$0x81] =	vst.msk $0xffff, v59  }
0x15: {  	s29 =	sand.u32 $0x40, s28;
	s27 =	sor.u32 s26, s23;
	s17 =	sadd.s32 s17, s18;
	[tilespmem:s21+$0x2040 ss:$0x81] =	vst.msk $0xffff, v60  }
0x16: {  	s30 =	sand.u32 $0x7, s16;
	s19 =	sor.u32 s19, s27;
	s17 =	sadd.s32 s29, s17;
	[tilespmem:s21+$0x2850 ss:$0x81] =	vst.msk $0xffff, v61  }
0x17: {  	s16 =	sshll.u32 s30, $0x12;
	s31 =	sshrl.u32 s19, $0x3;
	s15 =	sadd.s32 s15, s17;
	[tilespmem:s21+$0x3060 ss:$0x81] =	vst.msk $0xffff, v62  }
0x18: {  	s16 =	sor.u32 $0x80, s16;
	[tilespmem:s21+$0x0 ss:$0x81] =	vst.msk $0xffff, v63;
	s15 =	sadd.s32 s31, s15  }
0x19: {  	[hbm4b:s15+s16] =	stream.strided.scatter [tilespmem:s20], [sflag:$0x2], $0x4000, s8, s16, $0x20;
	[tilespmem:$0x10100] =	vst v63  }
.LBB1_5:
0x1a: {  	s20 =	sadd.s32 $0x80, s9  }
0x1b: {  	s15 =	simm.s32 $0x1;
	p2 =	sgt.s32 s20, $0x1FF  }
0x1c: {  	s15 =	simm.s32 @!p2 $0x0  }
0x1d: {  	s21 =	sadd.s32 s15, s10  }
0x1e: {  	s15 =	simm.s32 $0x1;
	p3 =	sgt.s32 s21, $0x7  }
0x1f: {  	s15 =	simm.s32 @!p3 $0x0  }
0x20: {  	s22 =	sadd.s32 s15, s11  }
0x21: {  	s23 =	smov.u32 s12;
	s15 =	sadd.s32 $0x100, s12;
	p4 =	sgt.s32 s22, $0x1  }
0x22: {  	p1 =	slt.u32 s14, $0x2;
	s24 =	smov.u32 s13;
	s23 =	smov.u32 @p4 s15  }
0x23: {  	s17 =	smov.u32 s10;
	s15 =	sadd.s32 $0x10, s13;
	p5 =	sgt.s32 s23, $0x1FF  }
0x24: {  	s19 =	smov.u32 s11;
	s16 =	smov.u32 s12;
	s24 =	smov.u32 @p5 s15  }
0x25: {  	s18 =	smov.u32 s13;
	s20 =	simm.s32 @p2 $0x0;
	p2 =	sgt.s32 s24, $0xF  }
0x26: {  	s25 =	simm.s32 @!p1 $0x2;
	s24 =	smov.u32 @p2 s3;
	p2 =	sne.s32 s14, s7  }
.Ltmp1:
0x27: {  	p0 =	por !p0, !p0;
	_ =	swait.ge @!p1 [sflag:s25], $0x4000;
	(pc) =	sbr.rel @!p2 .LBB1_6-.Ltmp1, $4  }
0x28: {  	[sflag:s25] =	ssyncset.done @!p1 $0x0;
	s21 =	simm.s32 @p3 $0x0;
	s22 =	simm.s32 @p4 $0x0  }
0x29: {  	[sflag:s25] =	ssyncadd.s32 @!p1 $0xFFFFC000;
	s10 =	smov.u32 s21;
	s11 =	smov.u32 s22  }
0x2a: {  	s23 =	smov.u32 @p5 s1;
	s15 =	smov.u32 s9;
	s9 =	smov.u32 s20  }
0x2b: {  	s12 =	smov.u32 s23;
	s14 =	sadd.s32 $0x1, s14;
	s13 =	smov.u32 s24  }
.LBB1_1:
0x2c: {  	p1 =	sge.u32 s14, s6  }
0x2d: {  	s31 =	sadd.s32 $0xFFFFFFFF, s14;
	s20 =	sxor.u32 @!p1 $0xFFFFFFFF, s14  }
0x2e: {  	s21 =	sshll.u32 @!p1 s9, $0x3;
	s22 =	sand.u32 @!p1 $0x78, s9;
	s23 =	sshll.u32 @!p1 s10, $0x7  }
0x2f: {  	s24 =	sshll.u32 @!p1 s13, $0x13;
	s25 =	sshll.u32 @!p1 s12, $0xA;
	s26 =	sshll.u32 @!p1 s11, $0x9  }
0x30: {  	s20 =	sshll.u32 @!p1 s20, $0xE;
	s21 =	sand.u32 @!p1 $0xC00, s21;
	s23 =	sand.u32 @!p1 $0x380, s23  }
0x31: {  	s20 =	sand.u32 @!p1 $0x4000, s20;
	s22 =	sor.u32 @!p1 s22, s23;
	s23 =	sadd.s32 @!p1 s4, s24  }
0x32: {  	s21 =	sor.u32 @!p1 s21, s22;
	s22 =	sadd.s32 @!p1 s25, s23;
	s23 =	sand.u32 @!p1 $0x7, s9  }
0x33: {  	s21 =	sshrl.u32 @!p1 s21, $0x3;
	s22 =	sadd.s32 @!p1 s26, s22;
	s23 =	sshll.u32 @!p1 s23, $0x12  }
0x34: {  	s21 =	sadd.s32 @!p1 s21, s22;
	s22 =	sor.u32 @!p1 $0x80, s23;
	s23 =	simm.s32 @!p1 $0x2000  }
0x35: {  	[tilespmem:s20], [sflag:$0x1] =	stream.strided.gather @!p1 [hbm4b:s21+s22], $0x4000, s23, s22, $0x38;
	[tilespmem:$0x10100] =	vst v63  }
0x36: {  	p1 =	sge.u32 s31, s6  }
.Ltmp2:
0x37: {  	_ = 	snop;
	(pc) =	sbr.rel @p1 .LBB1_5-.Ltmp2, $1  }
0x38: {  	_ =	sdelay $0x3  }
0x39: {  	s20 =	simm.s32 $0x1  }
0x3a: {  	_ =	swait.ge [sflag:s5], $0x4000;
	s20 =	simm.s32 @!p0 $0x0  }
0x3b: {  	[sflag:s5] =	ssyncset.done $0x0;
	s21 =	sshll.u32 s20, $0xE  }
0x3c: {  	[sflag:s5] =	ssyncadd.s32 $0xFFFFC000;
	s22 =	sor.u32 $0x40, s21  }
0x3d: {  	s20 =	smul.u32 $0x10200, s20;
	v0 =	vld [tilespmem:s22+$0x30]  }
0x3e: {  	v3 =	vld [tilespmem:s22+$0xFFFFFFD0]  }
0x3f: {  	s20 =	sshrl.u32 s20, $0x2;
	v4 =	vld [tilespmem:s22+$0xFFFFFFE0]  }
0x40: {  	v5 =	vld [tilespmem:s22+$0xFFFFFFF0];
	s21 =	sor.u32 $0x8000, s20  }
0x41: {  	s31 =	sand.u32 $0x1, s14;
	v1 =	vld [tilespmem:s22+$0x0];
	s23 =	sadd.s32 $0x0, s21  }
0x42: {  	v2 =	vld [tilespmem:s22+$0x10];
	s20 =	smul.u32 $0x10200, s31;
	[tilespmem:s23+$0x3870 ss:$0x81] =	vst.msk $0xffff, v0  }
0x43: {  	[tilespmem:s23+$0x810 ss:$0x81] =	vst.msk $0xffff, v3;
	v3 =	vld [tilespmem:s22+$0x20]  }
0x44: {  	s20 =	sshrl.u32 s20, $0x2;
	v0 =	vld [tilespmem:s22+$0xFFFFFFC0];
	[tilespmem:s23+$0x1020 ss:$0x81] =	vst.msk $0xffff, v4;
	s22 =	sadd.s32 $0x80, s22  }
0x45: {  	s24 =	simm.s32 $0x4;
	s25 =	simm.s32 $0x8;
	s20 =	sor.u32 $0x8000, s20;
	[tilespmem:s23+$0x1830 ss:$0x81] =	vst.msk $0xffff, v5;
	v4 =	vld [tilespmem:s22+$0x30]  }
.LBB1_3:
0x46: {  	p1 =	sne.s32 s25, $0x1FC;
	v5 =	vld [tilespmem:s22+$0xFFFFFFD0];
	[tilespmem:s23+$0x2040 ss:$0x81] =	vst.msk $0xffff, v1  }
0x47: {  	v6 =	vld [tilespmem:s22+$0xFFFFFFE0];
	[tilespmem:s23+$0x2850 ss:$0x81] =	vst.msk $0xffff, v2  }
0x48: {  	s26 =	sshra.s32 s24, $0x2;
	s24 =	smov.u32 s25;
	v7 =	vld [tilespmem:s22+$0xFFFFFFF0];
	[tilespmem:s23+$0x3060 ss:$0x81] =	vst.msk $0xffff, v3  }
.Ltmp3:
0x49: {  	v1 =	vld [tilespmem:s22+$0x0];
	[tilespmem:s23+$0x0 ss:$0x81] =	vst.msk $0xffff, v0;
	s23 =	sadd.s32 s26, s21;
	(pc) =	sbr.rel @p1 .LBB1_3-.Ltmp3, $4  }
0x4a: {  	v2 =	vld [tilespmem:s22+$0x10];
	[tilespmem:s23+$0x3870 ss:$0x81] =	vst.msk $0xffff, v4  }
0x4b: {  	[tilespmem:s23+$0x810 ss:$0x81] =	vst.msk $0xffff, v5;
	v3 =	vld [tilespmem:s22+$0x20]  }
0x4c: {  	v0 =	vld [tilespmem:s22+$0xFFFFFFC0];
	[tilespmem:s23+$0x1020 ss:$0x81] =	vst.msk $0xffff, v6;
	s22 =	sadd.s32 $0x80, s22  }
0x4d: {  	s25 =	sadd.s32 $0x4, s25;
	v4 =	vld [tilespmem:s22+$0x30];
	[tilespmem:s23+$0x1830 ss:$0x81] =	vst.msk $0xffff, v7  }
.Ltmp4:
0x4e: {  	_ = 	snop;
	(pc) =	sbr.rel .LBB1_4-.Ltmp4, $1  }
0x4f: {  	_ =	sdelay $0x3  }
.LBB1_6:
0x50: {  	_ =	sfence.sel $0x180000  }
0x51: {  	s1 =	simm.s32 $0x1;
	[bflag:$0x0] =	sbarrier.arrive $0xFFFF  }
0x52: {  	s31 =	simm.s32 $0x2;
	[sflag:s1] =	ssyncpa.u1 $0x1  }
0x53: {  	[sflag:s31] =	ssyncpa.u1 $0x1  }
0x54: {  	p0 =	sne.s32 s3, $0x0;
	_ =	strace $0x90000047  }
0x55: {  	s0 =	sadd.s32 @!p0 $0x100000, s0;
	[bflag:$0x2] =	sbarrier.arrive $0xFFFF  }
0x56: {  	[sflag:s0] =	ssyncadd.tile.s32 @!p0 $0x1;
	_ =	shalt  }
.Lfunc_end1:
_tile_overlayer_lowered:
.L_overlay_start_2:
0x57: {  	(tag) =	ssettag $0x2  }
0x58: {  	s0 =	rddreg [dreg:$0x0];
	s2 =	stileid.u32  }
0x59: {  	s1 =	rddreg [dreg:$0x1];
	p0 =	sne.s32 s2, $0x0  }
0x5a: {  	s3 =	rddreg [dreg:$0x2];
	[bflag:$0x3] =	sbarrier.arrive $0xFFFF;
	s2 =	simm.s32 @!p0 $0x1C01  }
0x5b: {  	[timem:s3], [sflag:s2] =	dma.local @!p0 [hbm:s0], s1  }
0x5c: {  	s0 =	simm.s32 @!p0 $0x1  }
0x5d: {  	_ =	swait.ge @!p0 [sflag:s0], s1  }
0x5e: {  	s1 =	ssub.s32 @!p0 $0x0, s1;
	[sflag:s0] =	ssyncset.done @!p0 $0x0  }
0x5f: {  	[sflag:s0] =	ssyncadd.s32 @!p0 s1  }
0x60: {  	[bflag:$0x3] =	sbarrier.arrive $0xFFFF  }
0x61: {  	_ =	shalt  }

</sc_bundles>
